<compile_context>
chip_gen: v7x
topology: tpu7x:2x2x1
jax: 0.10.2.dev20260603
libtpu: 0.0.44.dev20260713+nightly
codegen_flags: <defaults>
</compile_context>

<pallas_src>
import functools
import math

import jax
import jax.numpy as jnp
from jax import lax
from jax.experimental import pallas as pl
from jax.experimental.pallas import tpu as pltpu
from jax.experimental.pallas import tpu_sc as plsc

DELTA = 1e-5
TOPK_N = 128
NCH = 16



def _stream_block(x_ref, out_ref, cm_ref, *, blk, n):
    xb = x_ref[...]
    ch = n // NCH
    cm = jnp.concatenate(
        [jnp.max(xb[:, c * ch:(c + 1) * ch], axis=1, keepdims=True)
         for c in range(NCH)], axis=1)
    m = jnp.max(cm, axis=1, keepdims=True)
    out_ref[...] = jnp.maximum(xb - m, 0.0)
    cm_ref[...] = cm



def _make_detect(rows, n):
    try:
        info = plsc.get_sparse_core_info()
        nc, ns = info.num_cores, info.num_subcores
    except ValueError:
        nc, ns = 2, 16
    nw = nc * ns
    rpw = rows // nw
    ch = n // NCH
    mesh = plsc.VectorSubcoreMesh(core_axis_name="c", subcore_axis_name="s")

    @functools.partial(
        pl.kernel, mesh=mesh,
        out_type=jax.ShapeDtypeStruct((rows,), jnp.int32),
        scratch_types=[pltpu.VMEM((rpw, NCH), jnp.float32),
                       pltpu.VMEM((rpw,), jnp.int32),
                       pltpu.VMEM((rpw,), jnp.int32),
                       pltpu.VMEM((16, ch), jnp.float32),
                       pltpu.VMEM((16, ch), jnp.float32),
                       pltpu.SemaphoreType.DMA,
                       pltpu.SemaphoreType.DMA],
        compiler_params=pltpu.CompilerParams(needs_layout_passes=False),
    )
    def detect(cm_hbm, xc_hbm, flags_hbm, cmt_v, idx_v, fl_v,
               buf0, buf1, sem0, sem1):
        wid = lax.axis_index("s") * nc + lax.axis_index("c")
        base = wid * rpw
        pltpu.sync_copy(cm_hbm.at[pl.ds(base, rpw)], cmt_v)
        if True:
            for g in range(rpw // 16):
                fl_v[g * 16:(g + 1) * 16] = jnp.zeros((16,), jnp.int32)
            pltpu.sync_copy(fl_v, flags_hbm.at[pl.ds(base, rpw)])
            return
        lane = lax.iota(jnp.int32, 16)
        ngrp = rpw // 16

        def pre_body(g, r, carry):
            fl, idx = carry
            cm = cmt_v[g * 16 + r]
            m = jnp.max(cm)
            strictc = (cm >= m - DELTA) & (cm < m)
            nstrict = jnp.max(plsc.all_reduce_population_count(strictc))
            maxmask = cm == m
            nmax = jnp.max(plsc.all_reduce_population_count(maxmask))
            amax = jnp.max(plsc.all_reduce_ffs(maxmask))
            pre = ((nstrict > 0) | (nmax > 1)).astype(jnp.int32)
            sel = lane == r
            fl = jnp.where(sel, jnp.zeros((16,), jnp.int32) + pre, fl)
            idx = jnp.where(sel, jnp.zeros((16,), jnp.int32)
                            + (base + g * 16 + r) * NCH + amax, idx)
            return fl, idx

        for g in range(ngrp):
            fl, idx = lax.fori_loop(
                0, 16, functools.partial(pre_body, g),
                (jnp.zeros((16,), jnp.int32), jnp.zeros((16,), jnp.int32)))
            fl_v[g * 16:(g + 1) * 16] = fl
            idx_v[g * 16:(g + 1) * 16] = idx

        bufs = (buf0, buf1)
        sems = (sem0, sem1)
        cps = [pltpu.async_copy(
            xc_hbm.at[idx_v.at[pl.ds(0, 16)]], bufs[0], sems[0])]
        for g in range(ngrp):
            cps[g].wait()
            if g + 1 < ngrp:
                cps.append(pltpu.async_copy(
                    xc_hbm.at[idx_v.at[pl.ds((g + 1) * 16, 16)]],
                    bufs[(g + 1) % 2], sems[(g + 1) % 2]))
            buf = bufs[g % 2]

            def scan_row(r, fl):
                cm = cmt_v[g * 16 + r]
                m = jnp.max(cm)
                neg = m - 1.0

                def scan_body(i, acc):
                    for u in range(8):
                        v = buf[r, pl.ds((i * 8 + u) * 16, 16)]
                        acc = jnp.maximum(acc, jnp.where(v < m, v, neg))
                    return acc

                acc = lax.fori_loop(0, ch // 128, scan_body,
                                    jnp.zeros((16,), jnp.float32) + neg)
                strict = (jnp.max(acc) >= m - DELTA).astype(jnp.int32)
                return jnp.where(lane == r, jnp.maximum(fl, strict), fl)

            fl = lax.fori_loop(0, 16, scan_row, jnp.zeros((16,), jnp.int32))
            fl_v[g * 16:(g + 1) * 16] = jnp.maximum(
                fl_v[g * 16:(g + 1) * 16], fl)
        pltpu.sync_copy(fl_v, flags_hbm.at[pl.ds(base, rpw)])

    return detect



def _exact_tau(d, cur_ref, blk):
    cur_ref[...] = jnp.maximum(d, -DELTA)
    lane = jax.lax.broadcasted_iota(jnp.int32, (blk, TOPK_N), 1)

    def body(_, carry):
        acc, filled = carry
        cur = cur_ref[...]
        v = jnp.max(cur, axis=1, keepdims=True)
        eqm = cur == v
        q = jnp.sum(eqm.astype(jnp.int32), axis=1, keepdims=True)
        cur_ref[...] = jnp.where(eqm, -3.0 * DELTA, cur)
        emit = (lane >= filled) & (lane < filled + q)
        acc = jnp.where(emit, v, acc)
        return acc, filled + q

    acc0 = jnp.zeros((blk, TOPK_N), jnp.float32)
    fill0 = jnp.zeros((blk, 1), jnp.int32)
    acc, _ = jax.lax.fori_loop(0, TOPK_N, body, (acc0, fill0))

    tri = (jax.lax.broadcasted_iota(jnp.int32, (TOPK_N, TOPK_N), 0)
           <= jax.lax.broadcasted_iota(jnp.int32, (TOPK_N, TOPK_N), 1)
           ).astype(jnp.float32)
    c = jax.lax.dot_general(acc, tri, (((1,), (0,)), ((), ())),
                            preferred_element_type=jnp.float32)
    ranks = (lane + 1).astype(jnp.float32)
    ratio = c / (acc + 1e-8)
    maskk = ranks <= ratio
    supp = jnp.clip(jnp.sum(maskk.astype(jnp.int32), axis=1,
                            keepdims=True), 1, None)
    csel = jnp.sum(jnp.where(lane == supp - 1, c, 0.0), axis=1,
                   keepdims=True)
    return csel / (supp.astype(jnp.float32) + 1e-8)



def _fixup(flv_ref, fls_ref, x_any, out0_any, out_any,
           row_v, cur_v, sem_in, sem_out, *, rows, n):
    del out0_any
    nflag = jnp.sum(flv_ref[...])

    @pl.when(nflag > 0)
    def _any_heavy():
        def row_body(r, _):
            @pl.when(fls_ref[r // 256, r % 256] > 0)
            def _fix():
                cin = pltpu.make_async_copy(x_any.at[r], row_v.at[0], sem_in)
                cin.start()
                cin.wait()
                xr = row_v[...]
                m = jnp.max(xr, axis=1, keepdims=True)
                d = xr - m
                tau = _exact_tau(d, cur_v, 1)
                row_v[...] = jnp.maximum(d - tau, 0.0)
                cout = pltpu.make_async_copy(row_v.at[0], out_any.at[r],
                                             sem_out)
                cout.start()
                cout.wait()
            return 0

        lax.fori_loop(0, rows, row_body, 0)



@jax.jit
def kernel(x):
    b, h, n = x.shape
    rows = b * h
    blk = math.gcd(16, rows)
    xf = x.reshape(rows, n)

    out0, cm = pl.pallas_call(
        functools.partial(_stream_block, blk=blk, n=n),
        grid=(rows // blk,),
        in_specs=[pl.BlockSpec((blk, n), lambda i: (i, 0))],
        out_specs=[pl.BlockSpec((blk, n), lambda i: (i, 0)),
                   pl.BlockSpec((blk, NCH), lambda i: (i, 0))],
        out_shape=[jax.ShapeDtypeStruct((rows, n), jnp.float32),
                   jax.ShapeDtypeStruct((rows, NCH), jnp.float32)],
        compiler_params=pltpu.CompilerParams(
            dimension_semantics=("parallel",)),
    )(xf)

    flags = _make_detect(rows, n)(cm, xf.reshape(rows * NCH, n // NCH))

    flags2 = flags.reshape(rows // 256, 256)
    out = pl.pallas_call(
        functools.partial(_fixup, rows=rows, n=n),
        in_specs=[pl.BlockSpec(memory_space=pltpu.MemorySpace.VMEM),
                  pl.BlockSpec(memory_space=pltpu.MemorySpace.SMEM),
                  pl.BlockSpec(memory_space=pl.ANY),
                  pl.BlockSpec(memory_space=pl.ANY)],
        out_specs=pl.BlockSpec(memory_space=pl.ANY),
        out_shape=jax.ShapeDtypeStruct((rows, n), jnp.float32),
        scratch_shapes=[pltpu.VMEM((1, n), jnp.float32),
                        pltpu.VMEM((1, n), jnp.float32),
                        pltpu.SemaphoreType.DMA,
                        pltpu.SemaphoreType.DMA],
        input_output_aliases={3: 0},
    )(flags2, flags2, xf, out0)
    return out.reshape(b, h, n)

# --- scband reference (transcript-rebuilt; emitter-appended) ---
"""Pipeline reference for scband-soft-thresholding-operation-76879914598913 (READ-ONLY COPY).

The authoritative reference and input builder live on the scoring server;
editing this copy changes nothing except your own understanding.
"""

import jax, jax.numpy as jnp
import numpy as np

DIM = 2
TOPK = 128

def _tau_support(s, topk):
    n = s.shape[DIM]
    if topk >= n:
        sorted_ = jnp.flip(jnp.sort(s, axis=DIM), axis=DIM)
    else:
        sorted_, _ = jax.lax.top_k(s, topk)  # operates on last axis == DIM for 3D input
    cumsum = jnp.cumsum(sorted_, axis=DIM)
    k = sorted_.shape[DIM]
    indices = jnp.arange(1, k + 1, dtype=s.dtype).reshape(1, 1, -1)
    ratio = jax.lax.stop_gradient(cumsum / (sorted_ + 1e-08))
    mask = indices <= ratio
    support_size = jnp.clip(jnp.sum(mask, axis=DIM, keepdims=True), 1, None)
    gather_idx = jnp.clip(support_size - 1, 0, None)
    tau = jnp.take_along_axis(cumsum, gather_idx, axis=DIM) / (support_size.astype(s.dtype) + 1e-08)
    return tau, support_size

def soft_thresholding(x, topk=TOPK):
    max_val = jnp.max(x, axis=DIM, keepdims=True)
    x = x - max_val
    tau, supp_size = _tau_support(x, topk)
    return jnp.clip(x - tau, 0, None)

def setup_inputs(seed: int = 0) -> dict:
    key = jax.random.key(seed)
    x = jax.random.normal(key, (64, 32, 32768), dtype=jnp.float32)
    return {"x": x}

def reference(x):
    return soft_thresholding(x, TOPK)

if __name__ == "__main__":
    import jax
    _d = setup_inputs()
    print(jax.jit(kernel)(*tuple(_d.values())))

</pallas_src>

<mosaic_0001>
#map = affine_map<(d0, d1) -> (0, 0)>
#map1 = affine_map<(d0, d1) -> (0)>
module attributes {stable_mosaic.version = 14 : i64} {
  func.func @detect(%arg0: i32, %arg1: i32, %arg2: memref<2048x16xf32, #tpu.memory_space<hbm>>, %arg3: memref<32768x2048xf32, #tpu.memory_space<hbm>>, %arg4: memref<2048xi32, #tpu.memory_space<hbm>>, %arg5: memref<64x16xf32, #tpu.memory_space<vmem>>, %arg6: memref<64xi32, #tpu.memory_space<vmem>>, %arg7: memref<64xi32, #tpu.memory_space<vmem>>, %arg8: memref<16x2048xf32, #tpu.memory_space<vmem>>, %arg9: memref<16x2048xf32, #tpu.memory_space<vmem>>, %arg10: memref<!tpu.dma_semaphore, #tpu.memory_space<semaphore_mem>>, %arg11: memref<!tpu.dma_semaphore, #tpu.memory_space<semaphore_mem>>) attributes {dimension_semantics = [#tpu.dimension_semantics<core_parallel>, #tpu.dimension_semantics<subcore_parallel>], iteration_bounds = array<i64: 2, 16>, scalar_prefetch = 0 : i64, scratch_operands = 7 : i64, tpu.core_type = #tpu.core_type<sc_vector_subcore>, window_params = [{transform_indices = #map}, {transform_indices = #map}, {transform_indices = #map1}]} {
    %mul3A = arith.constant 2 : i32
    %mul3A_0 = arith.muli %arg1, %mul3A : i32
    %add3A = arith.addi %mul3A_0, %arg0 : i32
    %mul3A_1 = arith.constant 64 : i32
    %mul3A_2 = arith.muli %add3A, %mul3A_1 : i32
    "tpu.region"() ({
      %run_scoped3A = tpu.sem_alloc : memref<!tpu.dma_semaphore, #tpu.memory_space<semaphore_mem>>
      %dma_start3A = arith.constant 0 : i32
      %dma_start3A_17 = tpu.memref_slice %arg2[%mul3A_2, %dma_start3A] : memref<2048x16xf32, #tpu.memory_space<hbm>> -> memref<64x16xf32, #tpu.memory_space<hbm>>
      %dma_start3A_18 = arith.constant 0 : i32
      %dma_start3A_19 = tpu.memref_slice %arg2[%mul3A_2, %dma_start3A_18] : memref<2048x16xf32, #tpu.memory_space<hbm>> -> memref<64x16xf32, #tpu.memory_space<hbm>>
      tpu.enqueue_dma source(%dma_start3A_19 : memref<64x16xf32, #tpu.memory_space<hbm>>) target(%arg5 : memref<64x16xf32, #tpu.memory_space<vmem>>) target_semaphore(%run_scoped3A : memref<!tpu.dma_semaphore, #tpu.memory_space<semaphore_mem>>)
      %dma_wait3A = arith.constant 0 : i32
      %dma_wait3A_20 = tpu.memref_slice %arg2[%mul3A_2, %dma_wait3A] : memref<2048x16xf32, #tpu.memory_space<hbm>> -> memref<64x16xf32, #tpu.memory_space<hbm>>
      %dma_wait3A_21 = arith.constant 0 : i32
      %dma_wait3A_22 = tpu.memref_slice %arg2[%mul3A_2, %dma_wait3A_21] : memref<2048x16xf32, #tpu.memory_space<hbm>> -> memref<64x16xf32, #tpu.memory_space<hbm>>
      tpu.wait_dma2 semaphore(%run_scoped3A : memref<!tpu.dma_semaphore, #tpu.memory_space<semaphore_mem>>) src(%dma_wait3A_22 : memref<64x16xf32, #tpu.memory_space<hbm>>) dst(%arg5 : memref<64x16xf32, #tpu.memory_space<vmem>>)
      tpu.yield
    }) : () -> ()
    %broadcast_in_dim3A = arith.constant 0 : i32
    %broadcast_in_dim3A_3 = vector.broadcast %broadcast_in_dim3A : i32 to vector<16xi32>
    %swap3A = arith.constant 0 : index
    %swap3A_4 = tpu.vector_load %arg7[%swap3A] {strides = array<i32>} : memref<64xi32, #tpu.memory_space<vmem>>, vector<16xi32>,
    tpu.vector_store %arg7[%swap3A], %broadcast_in_dim3A_3 {strides = array<i32>} : memref<64xi32, #tpu.memory_space<vmem>>, vector<16xi32>,
    %broadcast_in_dim3A_5 = arith.constant 0 : i32
    %broadcast_in_dim3A_6 = vector.broadcast %broadcast_in_dim3A_5 : i32 to vector<16xi32>
    %swap3A_7 = arith.constant 16 : index
    %swap3A_8 = tpu.vector_load %arg7[%swap3A_7] {strides = array<i32>} : memref<64xi32, #tpu.memory_space<vmem>>, vector<16xi32>,
    tpu.vector_store %arg7[%swap3A_7], %broadcast_in_dim3A_6 {strides = array<i32>} : memref<64xi32, #tpu.memory_space<vmem>>, vector<16xi32>,
    %broadcast_in_dim3A_9 = arith.constant 0 : i32
    %broadcast_in_dim3A_10 = vector.broadcast %broadcast_in_dim3A_9 : i32 to vector<16xi32>
    %swap3A_11 = arith.constant 32 : index
    %swap3A_12 = tpu.vector_load %arg7[%swap3A_11] {strides = array<i32>} : memref<64xi32, #tpu.memory_space<vmem>>, vector<16xi32>,
    tpu.vector_store %arg7[%swap3A_11], %broadcast_in_dim3A_10 {strides = array<i32>} : memref<64xi32, #tpu.memory_space<vmem>>, vector<16xi32>,
    %broadcast_in_dim3A_13 = arith.constant 0 : i32
    %broadcast_in_dim3A_14 = vector.broadcast %broadcast_in_dim3A_13 : i32 to vector<16xi32>
    %swap3A_15 = arith.constant 48 : index
    %swap3A_16 = tpu.vector_load %arg7[%swap3A_15] {strides = array<i32>} : memref<64xi32, #tpu.memory_space<vmem>>, vector<16xi32>,
    tpu.vector_store %arg7[%swap3A_15], %broadcast_in_dim3A_14 {strides = array<i32>} : memref<64xi32, #tpu.memory_space<vmem>>, vector<16xi32>,
    "tpu.region"() ({
      %run_scoped3A = tpu.sem_alloc : memref<!tpu.dma_semaphore, #tpu.memory_space<semaphore_mem>>
      %dma_start3A = tpu.memref_slice %arg4[%mul3A_2] : memref<2048xi32, #tpu.memory_space<hbm>> -> memref<64xi32, #tpu.memory_space<hbm>>
      %dma_start3A_17 = tpu.memref_slice %arg4[%mul3A_2] : memref<2048xi32, #tpu.memory_space<hbm>> -> memref<64xi32, #tpu.memory_space<hbm>>
      tpu.enqueue_dma source(%arg7 : memref<64xi32, #tpu.memory_space<vmem>>) target(%dma_start3A_17 : memref<64xi32, #tpu.memory_space<hbm>>) target_semaphore(%run_scoped3A : memref<!tpu.dma_semaphore, #tpu.memory_space<semaphore_mem>>)
      %dma_wait3A = tpu.memref_slice %arg4[%mul3A_2] : memref<2048xi32, #tpu.memory_space<hbm>> -> memref<64xi32, #tpu.memory_space<hbm>>
      %dma_wait3A_18 = tpu.memref_slice %arg4[%mul3A_2] : memref<2048xi32, #tpu.memory_space<hbm>> -> memref<64xi32, #tpu.memory_space<hbm>>
      tpu.wait_dma2 semaphore(%run_scoped3A : memref<!tpu.dma_semaphore, #tpu.memory_space<semaphore_mem>>) src(%arg7 : memref<64xi32, #tpu.memory_space<vmem>>) dst(%dma_wait3A_18 : memref<64xi32, #tpu.memory_space<hbm>>)
      tpu.yield
    }) : () -> ()
    return
  }
}

module attributes {stable_mosaic.version = 14 : i64} {
  func.func @_stream_block(%arg0: i32, %arg1: memref<16x32768xf32, #tpu.memory_space<vmem>>, %arg2: memref<16x32768xf32, #tpu.memory_space<vmem>>, %arg3: memref<16x16xf32, #tpu.memory_space<vmem>>) attributes {dimension_semantics = [#tpu.dimension_semantics<parallel>], iteration_bounds = array<i64: 128>, scalar_prefetch = 0 : i64, scratch_operands = 0 : i64, tpu.core_type = #tpu.core_type<tc>, window_params = [{transform_indices = @transform_0, window_bounds = array<i64: 16, 32768>}, {transform_indices = @transform_1, window_bounds = array<i64: 16, 32768>}, {transform_indices = @transform_2, window_bounds = array<i64: 16, 16>}]} {
    %get3A = arith.constant 0 : index
    %get3A_0 = arith.constant 0 : index
    %get3A_1 = vector.load %arg1[%get3A, %get3A_0] : memref<16x32768xf32, #tpu.memory_space<vmem>>, vector<16x32768xf32>
    %slice3A = vector.extract_strided_slice %get3A_1 {offsets = [0, 0], sizes = [16, 2048], strides = [1, 1]} : vector<16x32768xf32> to vector<16x2048xf32>
    %reduce_max3A = arith.constant dense<0xFF800000> : vector<16xf32>
    %reduce_max3A_2 = vector.multi_reduction <maximumf>, %slice3A, %reduce_max3A [1] : vector<16x2048xf32> to vector<16xf32>
    %broadcast_in_dim3A = vector.shape_cast %reduce_max3A_2 : vector<16xf32> to vector<16x1xf32>
    %slice3A_3 = vector.extract_strided_slice %get3A_1 {offsets = [0, 2048], sizes = [16, 2048], strides = [1, 1]} : vector<16x32768xf32> to vector<16x2048xf32>
    %reduce_max3A_4 = arith.constant dense<0xFF800000> : vector<16xf32>
    %reduce_max3A_5 = vector.multi_reduction <maximumf>, %slice3A_3, %reduce_max3A_4 [1] : vector<16x2048xf32> to vector<16xf32>
    %broadcast_in_dim3A_6 = vector.shape_cast %reduce_max3A_5 : vector<16xf32> to vector<16x1xf32>
    %slice3A_7 = vector.extract_strided_slice %get3A_1 {offsets = [0, 4096], sizes = [16, 2048], strides = [1, 1]} : vector<16x32768xf32> to vector<16x2048xf32>
    %reduce_max3A_8 = arith.constant dense<0xFF800000> : vector<16xf32>
    %reduce_max3A_9 = vector.multi_reduction <maximumf>, %slice3A_7, %reduce_max3A_8 [1] : vector<16x2048xf32> to vector<16xf32>
    %broadcast_in_dim3A_10 = vector.shape_cast %reduce_max3A_9 : vector<16xf32> to vector<16x1xf32>
    %slice3A_11 = vector.extract_strided_slice %get3A_1 {offsets = [0, 6144], sizes = [16, 2048], strides = [1, 1]} : vector<16x32768xf32> to vector<16x2048xf32>
    %reduce_max3A_12 = arith.constant dense<0xFF800000> : vector<16xf32>
    %reduce_max3A_13 = vector.multi_reduction <maximumf>, %slice3A_11, %reduce_max3A_12 [1] : vector<16x2048xf32> to vector<16xf32>
    %broadcast_in_dim3A_14 = vector.shape_cast %reduce_max3A_13 : vector<16xf32> to vector<16x1xf32>
    %slice3A_15 = vector.extract_strided_slice %get3A_1 {offsets = [0, 8192], sizes = [16, 2048], strides = [1, 1]} : vector<16x32768xf32> to vector<16x2048xf32>
    %reduce_max3A_16 = arith.constant dense<0xFF800000> : vector<16xf32>
    %reduce_max3A_17 = vector.multi_reduction <maximumf>, %slice3A_15, %reduce_max3A_16 [1] : vector<16x2048xf32> to vector<16xf32>
    %broadcast_in_dim3A_18 = vector.shape_cast %reduce_max3A_17 : vector<16xf32> to vector<16x1xf32>
    %slice3A_19 = vector.extract_strided_slice %get3A_1 {offsets = [0, 10240], sizes = [16, 2048], strides = [1, 1]} : vector<16x32768xf32> to vector<16x2048xf32>
    %reduce_max3A_20 = arith.constant dense<0xFF800000> : vector<16xf32>
    %reduce_max3A_21 = vector.multi_reduction <maximumf>, %slice3A_19, %reduce_max3A_20 [1] : vector<16x2048xf32> to vector<16xf32>
    %broadcast_in_dim3A_22 = vector.shape_cast %reduce_max3A_21 : vector<16xf32> to vector<16x1xf32>
    %slice3A_23 = vector.extract_strided_slice %get3A_1 {offsets = [0, 12288], sizes = [16, 2048], strides = [1, 1]} : vector<16x32768xf32> to vector<16x2048xf32>
    %reduce_max3A_24 = arith.constant dense<0xFF800000> : vector<16xf32>
    %reduce_max3A_25 = vector.multi_reduction <maximumf>, %slice3A_23, %reduce_max3A_24 [1] : vector<16x2048xf32> to vector<16xf32>
    %broadcast_in_dim3A_26 = vector.shape_cast %reduce_max3A_25 : vector<16xf32> to vector<16x1xf32>
    %slice3A_27 = vector.extract_strided_slice %get3A_1 {offsets = [0, 14336], sizes = [16, 2048], strides = [1, 1]} : vector<16x32768xf32> to vector<16x2048xf32>
    %reduce_max3A_28 = arith.constant dense<0xFF800000> : vector<16xf32>
    %reduce_max3A_29 = vector.multi_reduction <maximumf>, %slice3A_27, %reduce_max3A_28 [1] : vector<16x2048xf32> to vector<16xf32>
    %broadcast_in_dim3A_30 = vector.shape_cast %reduce_max3A_29 : vector<16xf32> to vector<16x1xf32>
    %slice3A_31 = vector.extract_strided_slice %get3A_1 {offsets = [0, 16384], sizes = [16, 2048], strides = [1, 1]} : vector<16x32768xf32> to vector<16x2048xf32>
    %reduce_max3A_32 = arith.constant dense<0xFF800000> : vector<16xf32>
    %reduce_max3A_33 = vector.multi_reduction <maximumf>, %slice3A_31, %reduce_max3A_32 [1] : vector<16x2048xf32> to vector<16xf32>
    %broadcast_in_dim3A_34 = vector.shape_cast %reduce_max3A_33 : vector<16xf32> to vector<16x1xf32>
    %slice3A_35 = vector.extract_strided_slice %get3A_1 {offsets = [0, 18432], sizes = [16, 2048], strides = [1, 1]} : vector<16x32768xf32> to vector<16x2048xf32>
    %reduce_max3A_36 = arith.constant dense<0xFF800000> : vector<16xf32>
    %reduce_max3A_37 = vector.multi_reduction <maximumf>, %slice3A_35, %reduce_max3A_36 [1] : vector<16x2048xf32> to vector<16xf32>
    %broadcast_in_dim3A_38 = vector.shape_cast %reduce_max3A_37 : vector<16xf32> to vector<16x1xf32>
    %slice3A_39 = vector.extract_strided_slice %get3A_1 {offsets = [0, 20480], sizes = [16, 2048], strides = [1, 1]} : vector<16x32768xf32> to vector<16x2048xf32>
    %reduce_max3A_40 = arith.constant dense<0xFF800000> : vector<16xf32>
    %reduce_max3A_41 = vector.multi_reduction <maximumf>, %slice3A_39, %reduce_max3A_40 [1] : vector<16x2048xf32> to vector<16xf32>
    %broadcast_in_dim3A_42 = vector.shape_cast %reduce_max3A_41 : vector<16xf32> to vector<16x1xf32>
    %slice3A_43 = vector.extract_strided_slice %get3A_1 {offsets = [0, 22528], sizes = [16, 2048], strides = [1, 1]} : vector<16x32768xf32> to vector<16x2048xf32>
    %reduce_max3A_44 = arith.constant dense<0xFF800000> : vector<16xf32>
    %reduce_max3A_45 = vector.multi_reduction <maximumf>, %slice3A_43, %reduce_max3A_44 [1] : vector<16x2048xf32> to vector<16xf32>
    %broadcast_in_dim3A_46 = vector.shape_cast %reduce_max3A_45 : vector<16xf32> to vector<16x1xf32>
    %slice3A_47 = vector.extract_strided_slice %get3A_1 {offsets = [0, 24576], sizes = [16, 2048], strides = [1, 1]} : vector<16x32768xf32> to vector<16x2048xf32>
    %reduce_max3A_48 = arith.constant dense<0xFF800000> : vector<16xf32>
    %reduce_max3A_49 = vector.multi_reduction <maximumf>, %slice3A_47, %reduce_max3A_48 [1] : vector<16x2048xf32> to vector<16xf32>
    %broadcast_in_dim3A_50 = vector.shape_cast %reduce_max3A_49 : vector<16xf32> to vector<16x1xf32>
    %slice3A_51 = vector.extract_strided_slice %get3A_1 {offsets = [0, 26624], sizes = [16, 2048], strides = [1, 1]} : vector<16x32768xf32> to vector<16x2048xf32>
    %reduce_max3A_52 = arith.constant dense<0xFF800000> : vector<16xf32>
    %reduce_max3A_53 = vector.multi_reduction <maximumf>, %slice3A_51, %reduce_max3A_52 [1] : vector<16x2048xf32> to vector<16xf32>
    %broadcast_in_dim3A_54 = vector.shape_cast %reduce_max3A_53 : vector<16xf32> to vector<16x1xf32>
    %slice3A_55 = vector.extract_strided_slice %get3A_1 {offsets = [0, 28672], sizes = [16, 2048], strides = [1, 1]} : vector<16x32768xf32> to vector<16x2048xf32>
    %reduce_max3A_56 = arith.constant dense<0xFF800000> : vector<16xf32>
    %reduce_max3A_57 = vector.multi_reduction <maximumf>, %slice3A_55, %reduce_max3A_56 [1] : vector<16x2048xf32> to vector<16xf32>
    %broadcast_in_dim3A_58 = vector.shape_cast %reduce_max3A_57 : vector<16xf32> to vector<16x1xf32>
    %slice3A_59 = vector.extract_strided_slice %get3A_1 {offsets = [0, 30720], sizes = [16, 2048], strides = [1, 1]} : vector<16x32768xf32> to vector<16x2048xf32>
    %reduce_max3A_60 = arith.constant dense<0xFF800000> : vector<16xf32>
    %reduce_max3A_61 = vector.multi_reduction <maximumf>, %slice3A_59, %reduce_max3A_60 [1] : vector<16x2048xf32> to vector<16xf32>
    %broadcast_in_dim3A_62 = vector.shape_cast %reduce_max3A_61 : vector<16xf32> to vector<16x1xf32>
    %concatenate3A = tpu.concatenate %broadcast_in_dim3A, %broadcast_in_dim3A_6, %broadcast_in_dim3A_10, %broadcast_in_dim3A_14, %broadcast_in_dim3A_18, %broadcast_in_dim3A_22, %broadcast_in_dim3A_26, %broadcast_in_dim3A_30, %broadcast_in_dim3A_34, %broadcast_in_dim3A_38, %broadcast_in_dim3A_42, %broadcast_in_dim3A_46, %broadcast_in_dim3A_50, %broadcast_in_dim3A_54, %broadcast_in_dim3A_58, %broadcast_in_dim3A_62 in 1 : vector<16x1xf32>, vector<16x1xf32>, vector<16x1xf32>, vector<16x1xf32>, vector<16x1xf32>, vector<16x1xf32>, vector<16x1xf32>, vector<16x1xf32>, vector<16x1xf32>, vector<16x1xf32>, vector<16x1xf32>, vector<16x1xf32>, vector<16x1xf32>, vector<16x1xf32>, vector<16x1xf32>, vector<16x1xf32> -> vector<16x16xf32>
    %reduce_max3A_63 = arith.constant dense<0xFF800000> : vector<16xf32>
    %reduce_max3A_64 = vector.multi_reduction <maximumf>, %concatenate3A, %reduce_max3A_63 [1] : vector<16x16xf32> to vector<16xf32>
    %broadcast_in_dim3A_65 = vector.shape_cast %reduce_max3A_64 : vector<16xf32> to vector<16x1xf32>
    %sub3A = vector.broadcast %broadcast_in_dim3A_65 : vector<16x1xf32> to vector<16x32768xf32>
    %sub3A_66 = arith.subf %get3A_1, %sub3A : vector<16x32768xf32>
    %max3A = arith.constant 0.000000e+00 : f32
    %max3A_67 = vector.broadcast %max3A : f32 to vector<16x32768xf32>
    %max3A_68 = arith.maximumf %sub3A_66, %max3A_67 : vector<16x32768xf32>
    %swap3A = arith.constant 0 : index
    %swap3A_69 = arith.constant 0 : index
    %swap3A_70 = vector.load %arg2[%swap3A, %swap3A_69] : memref<16x32768xf32, #tpu.memory_space<vmem>>, vector<16x32768xf32>
    tpu.vector_store %arg2[%swap3A, %swap3A_69], %max3A_68 {strides = array<i32>} : memref<16x32768xf32, #tpu.memory_space<vmem>>, vector<16x32768xf32>,
    %swap3A_71 = arith.constant 0 : index
    %swap3A_72 = arith.constant 0 : index
    %swap3A_73 = vector.load %arg3[%swap3A_71, %swap3A_72] : memref<16x16xf32, #tpu.memory_space<vmem>>, vector<16x16xf32>
    tpu.vector_store %arg3[%swap3A_71, %swap3A_72], %concatenate3A {strides = array<i32>} : memref<16x16xf32, #tpu.memory_space<vmem>>, vector<16x16xf32>,
    return
  }
  func.func @transform_0(%arg0: i32) -> (i32, i32) {
    %c0_i32 = arith.constant 0 : i32
    %c0_i32_0 = arith.constant 0 : i32
    return %arg0, %c0_i32 : i32, i32
  }
  func.func @transform_1(%arg0: i32) -> (i32, i32) {
    %c0_i32 = arith.constant 0 : i32
    %c0_i32_0 = arith.constant 0 : i32
    return %arg0, %c0_i32 : i32, i32
  }
  func.func @transform_2(%arg0: i32) -> (i32, i32) {
    %c0_i32 = arith.constant 0 : i32
    %c0_i32_0 = arith.constant 0 : i32
    return %arg0, %c0_i32 : i32, i32
  }
}

module attributes {stable_mosaic.version = 14 : i64} {
  func.func @_fixup(%arg0: memref<8x256xi32, #tpu.memory_space<vmem>>, %arg1: memref<8x256xi32, #tpu.memory_space<smem>>, %arg2: memref<2048x32768xf32, #tpu.memory_space<any>>, %arg3: memref<2048x32768xf32, #tpu.memory_space<any>>, %arg4: memref<2048x32768xf32, #tpu.memory_space<any>>, %arg5: memref<1x32768xf32, #tpu.memory_space<vmem>>, %arg6: memref<1x32768xf32, #tpu.memory_space<vmem>>, %arg7: memref<!tpu.dma_semaphore, #tpu.memory_space<semaphore_mem>>, %arg8: memref<!tpu.dma_semaphore, #tpu.memory_space<semaphore_mem>>) attributes {dimension_semantics = [], scalar_prefetch = 0 : i64, scratch_operands = 4 : i64, tpu.core_type = #tpu.core_type<tc>} {
    %get3A = arith.constant 0 : index
    %get3A_0 = arith.constant 0 : index
    %get3A_1 = vector.load %arg0[%get3A, %get3A_0] : memref<8x256xi32, #tpu.memory_space<vmem>>, vector<8x256xi32>
    %reduce_sum3A = vector.shape_cast %get3A_1 : vector<8x256xi32> to vector<1x8x256xi32>
    %reduce_sum3A_2 = arith.constant dense<0> : vector<1xi32>
    %reduce_sum3A_3 = vector.multi_reduction <add>, %reduce_sum3A, %reduce_sum3A_2 [1, 2] : vector<1x8x256xi32> to vector<1xi32>
    %reduce_sum3A_4 = vector.shape_cast %reduce_sum3A_3 : vector<1xi32> to vector<1x1x1xi32>
    %reduce_sum3A_5 = vector.extract %reduce_sum3A_4[0, 0, 0] : i32 from vector<1x1x1xi32>
    %gt3A = arith.constant 0 : i32
    %gt3A_6 = arith.cmpi sgt, %reduce_sum3A_5, %gt3A : i32
    %convert_element_type3A = arith.extui %gt3A_6 : i1 to i32
    %cond3A = arith.constant 0 : i32
    %cond3A_7 = arith.cmpi ne, %convert_element_type3A, %cond3A : i32
    scf.if %cond3A_7 {
      %scan3A = arith.constant 0 : i32
      %scan3A_8 = arith.constant 2048 : i32
      %scan3A_9 = arith.addi %scan3A, %scan3A_8 : i32
      %scan3A_10 = arith.constant 1 : i32
      scf.for %scan3A_12 = %scan3A to %scan3A_9 step %scan3A_10  : i32 {
        %jit3A = arith.constant 256 : i32
        %div3A = arith.divsi %scan3A_12, %jit3A : i32
        %sign3A = arith.constant 0 : i32
        %sign3A_13 = arith.cmpi sgt, %scan3A_12, %sign3A : i32
        %sign3A_14 = arith.extui %sign3A_13 : i1 to i32
        %sign3A_15 = arith.constant 0 : i32
        %sign3A_16 = arith.cmpi slt, %scan3A_12, %sign3A_15 : i32
        %sign3A_17 = arith.extui %sign3A_16 : i1 to i32
        %sign3A_18 = arith.subi %sign3A_14, %sign3A_17 : i32
        %sign3A_19 = arith.constant 0 : i32
        %sign3A_20 = arith.cmpi sgt, %jit3A, %sign3A_19 : i32
        %sign3A_21 = arith.extui %sign3A_20 : i1 to i32
        %sign3A_22 = arith.constant 0 : i32
        %sign3A_23 = arith.cmpi slt, %jit3A, %sign3A_22 : i32
        %sign3A_24 = arith.extui %sign3A_23 : i1 to i32
        %sign3A_25 = arith.subi %sign3A_21, %sign3A_24 : i32
        %ne3A = arith.cmpi ne, %sign3A_18, %sign3A_25 : i32
        %rem3A = arith.remsi %scan3A_12, %jit3A : i32
        %ne3A_26 = arith.constant 0 : i32
        %ne3A_27 = arith.cmpi ne, %rem3A, %ne3A_26 : i32
        %and3A = arith.andi %ne3A, %ne3A_27 : i1
        %sub3A = arith.constant 1 : i32
        %sub3A_28 = arith.subi %div3A, %sub3A : i32
        %select_n3A = arith.select %and3A, %sub3A_28, %div3A : i32
        %jit3A_29 = arith.constant 256 : i32
        %eq3A = arith.constant 0 : i32
        %eq3A_30 = arith.cmpi eq, %jit3A_29, %eq3A : i32
        %jit3A_31 = arith.constant 1 : i32
        %select_n3A_32 = arith.select %eq3A_30, %jit3A_31, %jit3A_29 : i32
        %rem3A_33 = arith.remsi %scan3A_12, %select_n3A_32 : i32
        %ne3A_34 = arith.constant 0 : i32
        %ne3A_35 = arith.cmpi ne, %rem3A_33, %ne3A_34 : i32
        %lt3A = arith.constant 0 : i32
        %lt3A_36 = arith.cmpi slt, %rem3A_33, %lt3A : i32
        %lt3A_37 = arith.constant 0 : i32
        %lt3A_38 = arith.cmpi slt, %select_n3A_32, %lt3A_37 : i32
        %ne3A_39 = arith.xori %lt3A_36, %lt3A_38 : i1
        %and3A_40 = arith.andi %ne3A_39, %ne3A_35 : i1
        %add3A = arith.addi %rem3A_33, %select_n3A_32 : i32
        %select_n3A_41 = arith.select %and3A_40, %add3A, %rem3A_33 : i32
        %get3A_42 = arith.index_cast %select_n3A : i32 to index
        %get3A_43 = arith.index_cast %select_n3A_41 : i32 to index
        %get3A_44 = memref.load %arg1[%get3A_42, %get3A_43] : memref<8x256xi32, #tpu.memory_space<smem>>
        %gt3A_45 = arith.constant 0 : i32
        %gt3A_46 = arith.cmpi sgt, %get3A_44, %gt3A_45 : i32
        %convert_element_type3A_47 = arith.extui %gt3A_46 : i1 to i32
        %cond3A_48 = arith.constant 0 : i32
        %cond3A_49 = arith.cmpi ne, %convert_element_type3A_47, %cond3A_48 : i32
        scf.if %cond3A_49 {
          %dma_start3A = arith.constant 0 : i32
          %dma_start3A_50 = arith.constant 0 : i32
          %dma_start3A_51 = tpu.memref_slice %arg5[%dma_start3A, %dma_start3A_50] : memref<1x32768xf32, #tpu.memory_space<vmem>> -> memref<1x32768xf32, #tpu.memory_space<vmem>>
          %dma_start3A_52 = tpu.memref_squeeze %dma_start3A_51 : memref<1x32768xf32, #tpu.memory_space<vmem>> -> memref<32768xf32, #tpu.memory_space<vmem>>
          %dma_start3A_53 = arith.constant 0 : i32
          %dma_start3A_54 = tpu.memref_slice %arg2[%scan3A_12, %dma_start3A_53] : memref<2048x32768xf32, #tpu.memory_space<any>> -> memref<1x32768xf32, #tpu.memory_space<any>>
          %dma_start3A_55 = tpu.memref_squeeze %dma_start3A_54 : memref<1x32768xf32, #tpu.memory_space<any>> -> memref<32768xf32, #tpu.memory_space<any>>
          tpu.enqueue_dma source(%dma_start3A_55 : memref<32768xf32, #tpu.memory_space<any>>) target(%dma_start3A_52 : memref<32768xf32, #tpu.memory_space<vmem>>) target_semaphore(%arg7 : memref<!tpu.dma_semaphore, #tpu.memory_space<semaphore_mem>>)
          %dma_wait3A = arith.constant 0 : i32
          %dma_wait3A_56 = arith.constant 0 : i32
          %dma_wait3A_57 = tpu.memref_slice %arg5[%dma_wait3A, %dma_wait3A_56] : memref<1x32768xf32, #tpu.memory_space<vmem>> -> memref<1x32768xf32, #tpu.memory_space<vmem>>
          %dma_wait3A_58 = tpu.memref_squeeze %dma_wait3A_57 : memref<1x32768xf32, #tpu.memory_space<vmem>> -> memref<32768xf32, #tpu.memory_space<vmem>>
          %dma_wait3A_59 = arith.constant 0 : i32
          %dma_wait3A_60 = tpu.memref_slice %arg2[%scan3A_12, %dma_wait3A_59] : memref<2048x32768xf32, #tpu.memory_space<any>> -> memref<1x32768xf32, #tpu.memory_space<any>>
          %dma_wait3A_61 = tpu.memref_squeeze %dma_wait3A_60 : memref<1x32768xf32, #tpu.memory_space<any>> -> memref<32768xf32, #tpu.memory_space<any>>
          tpu.wait_dma2 semaphore(%arg7 : memref<!tpu.dma_semaphore, #tpu.memory_space<semaphore_mem>>) src(%dma_wait3A_61 : memref<32768xf32, #tpu.memory_space<any>>) dst(%dma_wait3A_58 : memref<32768xf32, #tpu.memory_space<vmem>>)
          %get3A_62 = arith.constant 0 : index
          %get3A_63 = arith.constant 0 : index
          %get3A_64 = vector.load %arg5[%get3A_62, %get3A_63] : memref<1x32768xf32, #tpu.memory_space<vmem>>, vector<1x32768xf32>
          %reduce_max3A = arith.constant dense<0xFF800000> : vector<1xf32>
          %reduce_max3A_65 = vector.multi_reduction <maximumf>, %get3A_64, %reduce_max3A [1] : vector<1x32768xf32> to vector<1xf32>
          %broadcast_in_dim3A = vector.shape_cast %reduce_max3A_65 : vector<1xf32> to vector<1x1xf32>
          %sub3A_66 = vector.broadcast %broadcast_in_dim3A : vector<1x1xf32> to vector<1x32768xf32>
          %sub3A_67 = arith.subf %get3A_64, %sub3A_66 : vector<1x32768xf32>
          %max3A = arith.constant -9.99999974E-6 : f32
          %max3A_68 = vector.broadcast %max3A : f32 to vector<1x32768xf32>
          %max3A_69 = arith.maximumf %sub3A_67, %max3A_68 : vector<1x32768xf32>
          %swap3A = arith.constant 0 : index
          %swap3A_70 = arith.constant 0 : index
          %swap3A_71 = vector.load %arg6[%swap3A, %swap3A_70] : memref<1x32768xf32, #tpu.memory_space<vmem>>, vector<1x32768xf32>
          tpu.vector_store %arg6[%swap3A, %swap3A_70], %max3A_69 {strides = array<i32>} : memref<1x32768xf32, #tpu.memory_space<vmem>>, vector<1x32768xf32>,
          %iota3A = tpu.iota {dimensions = array<i32: 1>} : vector<1x128xi32>
          %broadcast_in_dim3A_72 = arith.constant 0.000000e+00 : f32
          %broadcast_in_dim3A_73 = vector.broadcast %broadcast_in_dim3A_72 : f32 to vector<1x128xf32>
          %broadcast_in_dim3A_74 = arith.constant 0 : i32
          %broadcast_in_dim3A_75 = vector.broadcast %broadcast_in_dim3A_74 : i32 to vector<1x1xi32>
          %scan3A_76 = arith.constant 0 : i32
          %scan3A_77 = arith.constant 128 : i32
          %scan3A_78 = arith.addi %scan3A_76, %scan3A_77 : i32
          %scan3A_79 = arith.constant 1 : i32
          %scan3A_80:2 = scf.for %scan3A_140 = %scan3A_76 to %scan3A_78 step %scan3A_79 iter_args(%scan3A_141 = %broadcast_in_dim3A_73, %scan3A_142 = %broadcast_in_dim3A_75) -> (vector<1x128xf32>, vector<1x1xi32>)  : i32 {
            %get3A_143 = arith.constant 0 : index
            %get3A_144 = arith.constant 0 : index
            %get3A_145 = vector.load %arg6[%get3A_143, %get3A_144] : memref<1x32768xf32, #tpu.memory_space<vmem>>, vector<1x32768xf32>
            %reduce_max3A_146 = arith.constant dense<0xFF800000> : vector<1xf32>
            %reduce_max3A_147 = vector.multi_reduction <maximumf>, %get3A_145, %reduce_max3A_146 [1] : vector<1x32768xf32> to vector<1xf32>
            %broadcast_in_dim3A_148 = vector.shape_cast %reduce_max3A_147 : vector<1xf32> to vector<1x1xf32>
            %eq3A_149 = vector.broadcast %broadcast_in_dim3A_148 : vector<1x1xf32> to vector<1x32768xf32>
            %eq3A_150 = arith.cmpf oeq, %get3A_145, %eq3A_149 : vector<1x32768xf32>
            %convert_element_type3A_151 = arith.extui %eq3A_150 : vector<1x32768xi1> to vector<1x32768xi32>
            %reduce_sum3A_152 = arith.constant dense<0> : vector<1xi32>
            %reduce_sum3A_153 = vector.multi_reduction <add>, %convert_element_type3A_151, %reduce_sum3A_152 [1] : vector<1x32768xi32> to vector<1xi32>
            %broadcast_in_dim3A_154 = vector.shape_cast %reduce_sum3A_153 : vector<1xi32> to vector<1x1xi32>
            %jit3A_155 = arith.constant -3.000000e-05 : f32
            %broadcast_in_dim3A_156 = vector.broadcast %jit3A_155 : f32 to vector<1x32768xf32>
            %select_n3A_157 = arith.select %eq3A_150, %broadcast_in_dim3A_156, %get3A_145 : vector<1x32768xi1>, vector<1x32768xf32>
            %swap3A_158 = arith.constant 0 : index
            %swap3A_159 = arith.constant 0 : index
            %swap3A_160 = vector.load %arg6[%swap3A_158, %swap3A_159] : memref<1x32768xf32, #tpu.memory_space<vmem>>, vector<1x32768xf32>
            tpu.vector_store %arg6[%swap3A_158, %swap3A_159], %select_n3A_157 {strides = array<i32>} : memref<1x32768xf32, #tpu.memory_space<vmem>>, vector<1x32768xf32>,
            %ge3A = vector.broadcast %scan3A_142 : vector<1x1xi32> to vector<1x128xi32>
            %ge3A_161 = arith.cmpi sge, %iota3A, %ge3A : vector<1x128xi32>
            %add3A_162 = arith.addi %scan3A_142, %broadcast_in_dim3A_154 : vector<1x1xi32>
            %lt3A_163 = vector.broadcast %add3A_162 : vector<1x1xi32> to vector<1x128xi32>
            %lt3A_164 = arith.cmpi slt, %iota3A, %lt3A_163 : vector<1x128xi32>
            %and3A_165 = arith.andi %ge3A_161, %lt3A_164 : vector<1x128xi1>
            %broadcast_in_dim3A_166 = vector.shape_cast %broadcast_in_dim3A_148 : vector<1x1xf32> to vector<1x1xf32>
            %broadcast_in_dim3A_167 = vector.broadcast %broadcast_in_dim3A_166 : vector<1x1xf32> to vector<1x128xf32>
            %select_n3A_168 = arith.select %and3A_165, %broadcast_in_dim3A_167, %scan3A_141 : vector<1x128xi1>, vector<1x128xf32>
            %add3A_169 = arith.addi %scan3A_142, %broadcast_in_dim3A_154 : vector<1x1xi32>
            scf.yield %select_n3A_168, %add3A_169 : vector<1x128xf32>, vector<1x1xi32>
          }
          %iota3A_81 = tpu.iota {dimensions = array<i32: 0>} : vector<128x128xi32>
          %iota3A_82 = tpu.iota {dimensions = array<i32: 1>} : vector<128x128xi32>
          %le3A = arith.cmpi sle, %iota3A_81, %iota3A_82 : vector<128x128xi32>
          %convert_element_type3A_83 = arith.extui %le3A : vector<128x128xi1> to vector<128x128xi32>
          %convert_element_type3A_84 = arith.sitofp %convert_element_type3A_83 : vector<128x128xi32> to vector<128x128xf32>
          %dot_general3A = arith.constant dense<0.000000e+00> : vector<1x128xf32>
          %dot_general3A_85 = tpu.matmul %scan3A_80#0, %convert_element_type3A_84, %dot_general3A {dimension_numbers = #tpu.dot_dimension_numbers<[1], [0], [0], [1], [0, 0, 1, 1], [], []>, transpose_lhs_hint = false} : vector<1x128xf32>, vector<128x128xf32>, vector<1x128xf32> -> vector<1x128xf32>
          %add3A_86 = arith.constant 1 : i32
          %add3A_87 = vector.broadcast %add3A_86 : i32 to vector<1x128xi32>
          %add3A_88 = arith.addi %iota3A, %add3A_87 : vector<1x128xi32>
          %convert_element_type3A_89 = arith.sitofp %add3A_88 : vector<1x128xi32> to vector<1x128xf32>
          %add3A_90 = arith.constant 9.99999993E-9 : f32
          %add3A_91 = vector.broadcast %add3A_90 : f32 to vector<1x128xf32>
          %add3A_92 = arith.addf %scan3A_80#0, %add3A_91 : vector<1x128xf32>
          %div3A_93 = arith.divf %dot_general3A_85, %add3A_92 : vector<1x128xf32>
          %le3A_94 = arith.cmpf ole, %convert_element_type3A_89, %div3A_93 : vector<1x128xf32>
          %convert_element_type3A_95 = arith.extui %le3A_94 : vector<1x128xi1> to vector<1x128xi32>
          %reduce_sum3A_96 = arith.constant dense<0> : vector<1xi32>
          %reduce_sum3A_97 = vector.multi_reduction <add>, %convert_element_type3A_95, %reduce_sum3A_96 [1] : vector<1x128xi32> to vector<1xi32>
          %broadcast_in_dim3A_98 = vector.shape_cast %reduce_sum3A_97 : vector<1xi32> to vector<1x1xi32>
          %jit3A_99 = arith.constant 1 : i32
          %max3A_100 = vector.broadcast %jit3A_99 : i32 to vector<1x1xi32>
          %max3A_101 = arith.maxsi %max3A_100, %broadcast_in_dim3A_98 : vector<1x1xi32>
          %sub3A_102 = arith.constant 1 : i32
          %sub3A_103 = vector.broadcast %sub3A_102 : i32 to vector<1x1xi32>
          %sub3A_104 = arith.subi %max3A_101, %sub3A_103 : vector<1x1xi32>
          %eq3A_105 = vector.broadcast %sub3A_104 : vector<1x1xi32> to vector<1x128xi32>
          %eq3A_106 = arith.cmpi eq, %iota3A, %eq3A_105 : vector<1x128xi32>
          %jit3A_107 = arith.constant 0.000000e+00 : f32
          %broadcast_in_dim3A_108 = vector.broadcast %jit3A_107 : f32 to vector<1x128xf32>
          %select_n3A_109 = arith.select %eq3A_106, %dot_general3A_85, %broadcast_in_dim3A_108 : vector<1x128xi1>, vector<1x128xf32>
          %reduce_sum3A_110 = arith.constant dense<0.000000e+00> : vector<1xf32>
          %reduce_sum3A_111 = vector.multi_reduction <add>, %select_n3A_109, %reduce_sum3A_110 [1] : vector<1x128xf32> to vector<1xf32>
          %broadcast_in_dim3A_112 = vector.shape_cast %reduce_sum3A_111 : vector<1xf32> to vector<1x1xf32>
          %convert_element_type3A_113 = arith.sitofp %max3A_101 : vector<1x1xi32> to vector<1x1xf32>
          %add3A_114 = arith.constant 9.99999993E-9 : f32
          %add3A_115 = vector.broadcast %add3A_114 : f32 to vector<1x1xf32>
          %add3A_116 = arith.addf %convert_element_type3A_113, %add3A_115 : vector<1x1xf32>
          %div3A_117 = arith.divf %broadcast_in_dim3A_112, %add3A_116 : vector<1x1xf32>
          %sub3A_118 = vector.broadcast %div3A_117 : vector<1x1xf32> to vector<1x32768xf32>
          %sub3A_119 = arith.subf %sub3A_67, %sub3A_118 : vector<1x32768xf32>
          %max3A_120 = arith.constant 0.000000e+00 : f32
          %max3A_121 = vector.broadcast %max3A_120 : f32 to vector<1x32768xf32>
          %max3A_122 = arith.maximumf %sub3A_119, %max3A_121 : vector<1x32768xf32>
          %swap3A_123 = arith.constant 0 : index
          %swap3A_124 = arith.constant 0 : index
          %swap3A_125 = vector.load %arg5[%swap3A_123, %swap3A_124] : memref<1x32768xf32, #tpu.memory_space<vmem>>, vector<1x32768xf32>
          tpu.vector_store %arg5[%swap3A_123, %swap3A_124], %max3A_122 {strides = array<i32>} : memref<1x32768xf32, #tpu.memory_space<vmem>>, vector<1x32768xf32>,
          %dma_start3A_126 = arith.constant 0 : i32
          %dma_start3A_127 = arith.constant 0 : i32
          %dma_start3A_128 = tpu.memref_slice %arg4[%scan3A_12, %dma_start3A_127] : memref<2048x32768xf32, #tpu.memory_space<any>> -> memref<1x32768xf32, #tpu.memory_space<any>>
          %dma_start3A_129 = tpu.memref_squeeze %dma_start3A_128 : memref<1x32768xf32, #tpu.memory_space<any>> -> memref<32768xf32, #tpu.memory_space<any>>
          %dma_start3A_130 = arith.constant 0 : i32
          %dma_start3A_131 = tpu.memref_slice %arg5[%dma_start3A_126, %dma_start3A_130] : memref<1x32768xf32, #tpu.memory_space<vmem>> -> memref<1x32768xf32, #tpu.memory_space<vmem>>
          %dma_start3A_132 = tpu.memref_squeeze %dma_start3A_131 : memref<1x32768xf32, #tpu.memory_space<vmem>> -> memref<32768xf32, #tpu.memory_space<vmem>>
          tpu.enqueue_dma source(%dma_start3A_132 : memref<32768xf32, #tpu.memory_space<vmem>>) target(%dma_start3A_129 : memref<32768xf32, #tpu.memory_space<any>>) target_semaphore(%arg8 : memref<!tpu.dma_semaphore, #tpu.memory_space<semaphore_mem>>)
          %dma_wait3A_133 = arith.constant 0 : i32
          %dma_wait3A_134 = arith.constant 0 : i32
          %dma_wait3A_135 = tpu.memref_slice %arg4[%scan3A_12, %dma_wait3A_134] : memref<2048x32768xf32, #tpu.memory_space<any>> -> memref<1x32768xf32, #tpu.memory_space<any>>
          %dma_wait3A_136 = tpu.memref_squeeze %dma_wait3A_135 : memref<1x32768xf32, #tpu.memory_space<any>> -> memref<32768xf32, #tpu.memory_space<any>>
          %dma_wait3A_137 = arith.constant 0 : i32
          %dma_wait3A_138 = tpu.memref_slice %arg5[%dma_wait3A_133, %dma_wait3A_137] : memref<1x32768xf32, #tpu.memory_space<vmem>> -> memref<1x32768xf32, #tpu.memory_space<vmem>>
          %dma_wait3A_139 = tpu.memref_squeeze %dma_wait3A_138 : memref<1x32768xf32, #tpu.memory_space<vmem>> -> memref<32768xf32, #tpu.memory_space<vmem>>
          tpu.wait_dma2 semaphore(%arg8 : memref<!tpu.dma_semaphore, #tpu.memory_space<semaphore_mem>>) src(%dma_wait3A_139 : memref<32768xf32, #tpu.memory_space<vmem>>) dst(%dma_wait3A_136 : memref<32768xf32, #tpu.memory_space<any>>)
        } else {
        }
      }
      %scan3A_11 = arith.constant 2048 : i32
    } else {
    }
    return
  }
}

</mosaic_0001>

<sc_bundles>
// kernel: kernel.5.cloned.1.call-start
scs
__scs_entry_jumppad:
0x0: {  	(pc) =	sbr.rel $0x88, $3  }
0x1: {  	(tag) =	ssettag $0x0;
	lr =	simm.s32 $0x1  }
0x2: {  	[smem:$0x3FA0] =	sst lr;
	_ =	strace $0xD0000000  }
0x3: {  	_ = 	snop  }
0x4: {  	_ = 	snop  }
0x5: {  	_ = 	snop  }
0x6: {  	_ = 	snop  }
0x7: {  	_ = 	snop  }
__scs_overlays_trampoline_lowered:
0x8: {  	[smem:$0x3FAF] =	sst s0  }
0x9: {  	[smem:$0x3FB0] =	sst s1  }
0xa: {  	[smem:$0x3FB1] =	sst s2  }
0xb: {  	[smem:$0x3FB2] =	sst s3  }
0xc: {  	[smem:$0x3FB3] =	sst s4  }
0xd: {  	[smem:$0x3FB4] =	sst s5  }
0xe: {  	[smem:$0x3FB5] =	sst s6  }
0xf: {  	[smem:$0x3FB6] =	sst s7  }
0x10: {  	[smem:$0x3FB7] =	sst s8  }
0x11: {  	[smem:$0x3FB8] =	sst s9;
	s0 =	simm.s32 @!p0 $0x0  }
0x12: {  	s1 =	sld [smem:$0x3F9E];
	s0 =	simm.s32 @p0 $0x1  }
0x13: {  	[smem:$0x3FB9] =	sst s0;
	s0 =	simm.s32 @!p1 $0x0  }
0x14: {  	s2 =	sld [smem:$0x3F9D];
	s0 =	simm.s32 @p1 $0x1  }
0x15: {  	[smem:$0x3FBA] =	sst s0;
	s0 =	simm.s32 @!p2 $0x0  }
0x16: {  	s3 =	sld [smem:$0x3FDB];
	s0 =	simm.s32 @p2 $0x1  }
0x17: {  	s4 =	simm.s32 $0x1BF5;
	[smem:$0x3FBC] =	sst s0  }
0x18: {  	s0 =	sld [smem:$0x3F9F];
	_ =	swait.ge [sflag:s4], $0x0  }
0x19: {  	s7 =	sld [smem:$0x3FA0]  }
0x1a: {  	s8 =	sadd.s32 $0xFFFFE003, lr  }
0x1b: {  	s9 =	sadd.s32 $0xFFFFFEF7, lr;
	s5 =	simm.s32 $0xFFFFFFFF;
	p2 =	slt.u32 s8, $0xFFFFF086  }
0x1c: {  	p1 =	slt.u32 s9, $0xF7A;
	s5 =	simm.s32 @!p2 $0x0  }
0x1d: {  	s5 =	simm.s32 @p1 $0x1;
	p0 =	seq.s32 s7, s2  }
0x1e: {  	s7 =	smul.u32 @!p0 $0xF7A, s2;
	p2 =	seq.s32 @!p0 s5, $0x0  }
0x1f: {  	s9 =	smul.u32 $0xF7A, s1;
	s8 =	simm.s32 @!p0 $0x1BF5;
	p2 =	por !p2, p0  }
0x20: {  	[sflag:s8] =	ssyncset.s32 @!p0 $0xFFFFF086;
	s6 =	sadd.s32 @!p0 s3, s7;
	s7 =	simm.s32 @!p0 $0x108  }
0x21: {  	s3 =	sadd.s32 s3, s9;
	s6 =	sadd.s32 @!p0 $0x88, s6;
	s7 =	simm.s32 @p2 $0x1082  }
0x22: {  	[simem:s7], [sflag:s8] =	dma.local @!p0 [hbm:s6], $0xF7A  }
0x23: {  	s9 =	sor.u32 $0xD0000000, s2;
	s6 =	simm.s32 $0x108;
	_ =	swait.ge @!p0 [sflag:s8], $0x0  }
0x24: {  	s3 =	sadd.s32 $0x88, s3;
	s6 =	simm.s32 @!p1 $0x1082;
	[sflag:s4] =	ssyncset.s32 $0xFFFFF086  }
0x25: {  	[simem:s6], [sflag:s4] =	dma.local [hbm:s3], $0xF7A  }
0x26: {  	[smem:$0x3FA0] =	sst s1;
	(tag) =	ssettag s2;
	_ =	strace s9  }
0x27: {  	s1 =	sld [smem:$0x3FB0]  }
0x28: {  	s2 =	sld [smem:$0x3FB1]  }
0x29: {  	s4 =	sld [smem:$0x3FB3]  }
0x2a: {  	p0 =	seq.s32 s5, $0x0;
	s5 =	sld [smem:$0x3FB4]  }
0x2b: {  	s6 =	sld [smem:$0x3FB5]  }
0x2c: {  	s7 =	sld [smem:$0x3FB6]  }
0x2d: {  	s3 =	simm.s32 $0x108;
	s8 =	sld [smem:$0x3FB7]  }
0x2e: {  	s3 =	simm.s32 @!p0 $0x1082;
	s9 =	sld [smem:$0x3FB8]  }
0x2f: {  	lr =	sadd.s32 s0, s3;
	s0 =	sld [smem:$0x3FAF]  }
0x30: {  	s3 =	sld [smem:$0x3FB2]  }
0x31: {  	[smem:$0x3FBB] =	sst s10  }
0x32: {  	s10 =	sld [smem:$0x3FB9];
	_ =	sdelay $0x3  }
0x33: {  	p0 =	seq.s32 s10, $0x1;
	s10 =	sld [smem:$0x3FBB];
	_ =	sdelay $0x3  }
0x34: {  	[smem:$0x3FBB] =	sst s10  }
0x35: {  	s10 =	sld [smem:$0x3FBA];
	_ =	sdelay $0x3  }
0x36: {  	p1 =	seq.s32 s10, $0x1;
	s10 =	sld [smem:$0x3FBB];
	_ =	sdelay $0x3  }
0x37: {  	[smem:$0x3FBB] =	sst s10  }
0x38: {  	s10 =	sld [smem:$0x3FBC]  }
0x39: {  	_ = 	snop;
	(pc) =	sbr.ind lr, $3  }
0x3a: {  	_ = 	snop  }
0x3b: {  	_ = 	snop  }
0x3c: {  	p2 =	seq.s32 s10, $0x1;
	s10 =	sld [smem:$0x3FBB]  }
0x3d: {  	_ =	shalt  }
0x3e: {  	_ =	shalt  }
0x3f: {  	_ =	shalt  }
0x40: {  	_ =	shalt  }
0x41: {  	_ =	shalt  }
0x42: {  	_ =	shalt  }
0x43: {  	_ =	shalt  }
0x44: {  	_ =	shalt  }
0x45: {  	_ =	shalt  }
0x46: {  	_ =	shalt  }
0x47: {  	_ =	shalt  }
0x48: {  	_ =	shalt  }
0x49: {  	_ =	shalt  }
0x4a: {  	_ =	shalt  }
0x4b: {  	_ =	shalt  }
0x4c: {  	_ =	shalt  }
0x4d: {  	_ =	shalt  }
0x4e: {  	_ =	shalt  }
0x4f: {  	_ =	shalt  }
0x50: {  	_ =	shalt  }
0x51: {  	_ =	shalt  }
0x52: {  	_ =	shalt  }
0x53: {  	_ =	shalt  }
0x54: {  	_ =	shalt  }
0x55: {  	_ =	shalt  }
0x56: {  	_ =	shalt  }
0x57: {  	_ =	shalt  }
0x58: {  	_ =	shalt  }
0x59: {  	_ =	shalt  }
0x5a: {  	_ =	shalt  }
0x5b: {  	_ =	shalt  }
0x5c: {  	_ =	shalt  }
0x5d: {  	_ =	shalt  }
0x5e: {  	_ =	shalt  }
0x5f: {  	_ =	shalt  }
0x60: {  	_ =	shalt  }
0x61: {  	_ =	shalt  }
0x62: {  	_ =	shalt  }
0x63: {  	_ =	shalt  }
0x64: {  	_ =	shalt  }
0x65: {  	_ =	shalt  }
0x66: {  	_ =	shalt  }
0x67: {  	_ =	shalt  }
0x68: {  	_ =	shalt  }
0x69: {  	_ =	shalt  }
0x6a: {  	_ =	shalt  }
0x6b: {  	_ =	shalt  }
0x6c: {  	_ =	shalt  }
0x6d: {  	_ =	shalt  }
0x6e: {  	_ =	shalt  }
0x6f: {  	_ =	shalt  }
0x70: {  	_ =	shalt  }
0x71: {  	_ =	shalt  }
0x72: {  	_ =	shalt  }
0x73: {  	_ =	shalt  }
0x74: {  	_ =	shalt  }
0x75: {  	_ =	shalt  }
0x76: {  	_ =	shalt  }
0x77: {  	_ =	shalt  }
0x78: {  	_ =	shalt  }
0x79: {  	_ =	shalt  }
0x7a: {  	_ =	shalt  }
0x7b: {  	_ =	shalt  }
0x7c: {  	_ =	shalt  }
0x7d: {  	_ =	shalt  }
0x7e: {  	_ =	shalt  }
0x7f: {  	_ =	shalt  }
0x80: {  	_ =	shalt  }
0x81: {  	_ =	shalt  }
0x82: {  	_ =	shalt  }
0x83: {  	_ =	shalt  }
0x84: {  	_ =	shalt  }
0x85: {  	_ =	shalt  }
0x86: {  	_ =	shalt  }
0x87: {  	_ =	shalt  }
.Lfunc_end0:
.L_simem_size_0:
called_computation_lowered:
.L_overlay_start_0:
0x88: {  	s2 =	sld [smem:$0x3FD9]  }
0x89: {  	s3 =	sld [smem:$0x3FFE];
	_ =	sdelay $0x1  }
0x8a: {  	s1 =	srdreg.scid  }
0x8b: {  	s0 =	sand.u32 $0x1, s1  }
0x8c: {  	s16 =	sshll.u32 s0, $0xA;
	s2 =	sadd.s32 s3, s2  }
0x8d: {  	s2 =	sadd.s32 s2, s16  }
0x8e: {  	[smem:$0x3FC7] =	sst s2  }
0x8f: {  	_ = 	snop  }
0x90: {  	(tm) =	ssettm $0x1  }
0x91: {  	s17 =	sld [smem:$0x3FFB];
	_ =	sdelay $0x3  }
0x92: {  	_ =	strace s17  }
0x93: {  	s2 =	sld [smem:$0x3FFC];
	_ =	sdelay $0x3  }
0x94: {  	_ =	strace s2  }
0x95: {  	s2 =	sld [smem:$0x3FFD];
	_ =	sdelay $0x3  }
0x96: {  	_ =	strace s2  }
0x97: {  	_ =	strace $0x8FFFFFFF  }
0x98: {  	s18 =	sld [smem:$0x3FDB];
	_ =	sdelay $0x1  }
0x99: {  	s19 =	simm.s32 $_scs_section_size  }
0x9a: {  	s4 =	simm.s32 $_size__tile_overlayer_lowered;
	s5 =	simm.s32 $_tile_overlayer_lowered  }
0x9b: {  	s22 =	simm.s32 $0x1BFF;
	s21 =	sshll.u32 s5, $0x1;
	s2 =	sadd.s32 s19, s18  }
0x9c: {  	s6 =	simm.s32 $0x0;
	s20 =	sshll.u32 s4, $0x1;
	s4 =	sadd.s32 s21, s2  }
0x9d: {  	[timem:s6], [sflag:s22] =	dma.local [hbm:s4], s20  }
0x9e: {  	_ =	swait.ge [sflag:s22], s20  }
0x9f: {  	s3 =	ssub.s32 $0x0, s20;
	[sflag:s22] =	ssyncset.done $0x0  }
0xa0: {  	[sflag:s22] =	ssyncadd.s32 s3;
	_ =	sdelay $0x1  }
0xa1: {  	s23 =	simm.s32 $0x1B8B  }
0xa2: {  	_ =	swait.ge [sflag:s23], $0x1  }
0xa3: {  	[sflag:s23] =	ssyncset.done $0x0  }
0xa4: {  	s25 =	simm.s32 $0x1B8E;
	s24 =	sld [smem:$0x3FFE];
	[sflag:s23] =	ssyncadd.s32 $0xFFFFFFFF  }
0xa5: {  	s26 =	simm.s32 $execute0_lowered;
	[smem:$0x3FD2] =	sst s25  }
0xa6: {  	s4 =	sshll.u32 s26, $0x1;
	_ =	strace $0x80000046;
	[dreg:$0x1] =	wrdreg $0xFFFFFFFF  }
0xa7: {  	s28 =	simm.s32 $_size_execute0_lowered;
	s2 =	sadd.s32 s2, s4;
	[dreg:$0x0] =	wrdreg $0x0  }
0xa8: {  	s4 =	sshll.u32 s28, $0x1;
	[dreg:$0x2] =	wrdreg s2  }
0xa9: {  	[dreg:$0x3] =	wrdreg s4  }
0xaa: {  	[dreg:$0x4] =	wrdreg $0xC0  }
0xab: {  	_ =	task [dreg:s6], $0x5FFFF  }
0xac: {  	[dreg:$0x1] =	wrdreg $0xFFFFFFFF  }
0xad: {  	[dreg:$0x0] =	wrdreg $0x60  }
0xae: {  	[dreg:$0x2] =	wrdreg s24  }
0xaf: {  	[dreg:$0x3] =	wrdreg $0x9  }
0xb0: {  	_ =	task.clear_ibuf [dreg:s6], $0x4FFFF;
	_ =	strace $0x90000046  }
0xb1: {  	s29 =	simm.s32 $0x9;
	_ =	strace $0x80000048  }
0xb2: {  	_ =	swait.ge [sflag:s29], $0x1  }
0xb3: {  	[sflag:s29] =	ssyncadd.s32 $0xFFFFFFFF  }
0xb4: {  	_ =	strace $0x90000048  }
0xb5: {  	_ =	sfence  }
0xb6: {  	s30 =	sld [smem:$0x0];
	_ =	sdelay $0x2  }
0xb7: {  	s31 =	sshll.u32 s1, $0xD;
	s1 =	sshrl.u32 s1, $0x2  }
0xb8: {  	s3 =	sand.u32 $0x4000, s31;
	s1 =	sadd.s32 s1, s30  }
0xb9: {  	s0 =	sor.u32 s3, s0;
	s1 =	sshll.u32 s1, $0x11  }
0xba: {  	s0 =	sor.u32 s1, s0  }
0xbb: {  	s0 =	sadd.s32 $0x8F2B, s0  }
0xbc: {  	[sflag:s0] =	ssyncadd.remote.s32 $0x1  }
0xbd: {  	_ =	sfence.sel $0xFFFF  }
0xbe: {  	[dreg:$0x0] =	wrdreg $0xFFFFFFFF;
	(pc) =	sbr.abs _section_cstart, $3  }
0xbf: {  	[dreg:$0x1] =	wrdreg $0xFFFFFFFF  }
0xc0: {  	_ =	task.clear_ibuf [dreg:s6], $0x2FFFF;
	_ =	strace $0x9FFFFFFF  }
0xc1: {  	(tm) =	ssettm $0x7FFFFFFF  }
tec
execute0_lowered:
.L_overlay_start_1:
0x0: {  	(tag) =	ssettag $0x1  }
0x1: {  	s1 =	srdreg.scid  }
0x2: {  	s0 =	stileid.u32;
	s5 =	sand.u32 $0x1, s1  }
0x3: {  	s6 =	rddreg [dreg:$0x0];
	s30 =	sshll.u32 s0, $0x7;
	s2 =	sshll.u32 s5, $0x6  }
0x4: {  	s1 =	rddreg [dreg:$0x1];
	s5 =	ssub.s32 $0x2, s5;
	s7 =	sor.u32 s2, s30  }
0x5: {  	s2 =	simm.s32 $0x0;
	s8 =	sshrl.u32 s5, $0x1;
	s3 =	sshll.u32 s7, $0x4  }
0x6: {  	[smem:$0x7FF] =	sst s2;
	s5 =	ssub.s32 s5, s8;
	s3 =	sadd.s32 s3, s6  }
0x7: {  	_ =	strace $0x80000047;
	s4 =	sadd.s32 $0x800800, s3;
	s3 =	simm.s32 $0x1  }
0x8: {  	[tilespmem:s2], [sflag:$0x1] =	stream.linear.gather [hbm4b:s4+s2], $0x2000, $0x38;
	[tilespmem:$0x2080] =	vst v63  }
0x9: {  	s8 =	smax.u32 s5, $0x1;
	_ =	swait.ge [sflag:s3], $0x2000  }
0xa: {  	p0 =	sne.s32 s8, $0x1;
	[sflag:s3] =	ssyncset.done $0x0  }
.Ltmp0:
0xb: {  	v0 =	vimm.s32 $0x0;
	[sflag:s3] =	ssyncadd.s32 $0xFFFFE000;
	(pc) =	sbr.rel @!p0 .LBB2_2-.Ltmp0, $4  }
0xc: {  	[tilespmem:$0x2030] =	vst v0  }
0xd: {  	s7 =	sshrl.u32 s7, $0x3;
	[tilespmem:$0x2020] =	vst v0  }
0xe: {  	s31 =	sadd.s32 s7, s6;
	[tilespmem:$0x2000] =	vst v0  }
0xf: {  	s6 =	simm.s32 $0x2000;
	s5 =	sadd.s32 $0x808800, s31;
	s7 =	sadd.s32 $0xFFFFFFFF, s8;
	[tilespmem:$0x2010] =	vst v0  }
.LBB2_1:
0x10: {  	[hbm4b:s5+s2] =	stream.linear.scatter [tilespmem:s6], [sflag:$0x1], $0x40, $0x38;
	[tilespmem:$0x2080] =	vst v63  }
0x11: {  	p0 =	sne.s32 s7, $0x1;
	s7 =	sadd.s32 $0xFFFFFFFF, s7;
	_ =	swait.ge [sflag:s3], $0x40  }
0x12: {  	[sflag:s3] =	ssyncset.done $0x0  }
0x13: {  	[sflag:s3] =	ssyncadd.s32 $0xFFFFFFC0  }
0x14: {  	[tilespmem:s2], [sflag:$0x1] =	stream.linear.gather [hbm4b:s4+s2], $0x2000, $0x38;
	[tilespmem:$0x2080] =	vst v63  }
0x15: {  	_ =	swait.ge [sflag:s3], $0x2000  }
0x16: {  	[sflag:s3] =	ssyncset.done $0x0  }
.Ltmp1:
0x17: {  	[sflag:s3] =	ssyncadd.s32 $0xFFFFE000;
	(pc) =	sbr.rel @p0 .LBB2_1-.Ltmp1, $4  }
0x18: {  	[tilespmem:$0x2030] =	vst v0  }
0x19: {  	[tilespmem:$0x2020] =	vst v0  }
0x1a: {  	[tilespmem:$0x2000] =	vst v0  }
0x1b: {  	[tilespmem:$0x2010] =	vst v0  }
.LBB2_2:
0x1c: {  	[hbm4b:s5+s2] =	stream.linear.scatter [tilespmem:s6], [sflag:$0x1], $0x40, $0x38;
	[tilespmem:$0x2080] =	vst v63  }
0x1d: {  	_ =	swait.ge [sflag:s3], $0x40  }
0x1e: {  	[sflag:s3] =	ssyncset.done $0x0  }
0x1f: {  	[sflag:s3] =	ssyncadd.s32 $0xFFFFFFC0  }
0x20: {  	_ =	sfence.sel $0x180000  }
0x21: {  	[bflag:$0x0] =	sbarrier.arrive $0xFFFF  }
0x22: {  	p0 =	sne.s32 s0, $0x0;
	_ =	strace $0x90000047  }
0x23: {  	s0 =	sadd.s32 @!p0 $0x100000, s1;
	[bflag:$0x2] =	sbarrier.arrive $0xFFFF  }
0x24: {  	[sflag:s0] =	ssyncadd.tile.s32 @!p0 $0x1;
	_ =	shalt  }
.Lfunc_end2:
_tile_overlayer_lowered:
.L_overlay_start_2:
0x25: {  	(tag) =	ssettag $0x2  }
0x26: {  	s0 =	rddreg [dreg:$0x0];
	s2 =	stileid.u32  }
0x27: {  	s1 =	rddreg [dreg:$0x1];
	p0 =	sne.s32 s2, $0x0  }
0x28: {  	s3 =	rddreg [dreg:$0x2];
	[bflag:$0x3] =	sbarrier.arrive $0xFFFF;
	s2 =	simm.s32 @!p0 $0x1C01  }
0x29: {  	[timem:s3], [sflag:s2] =	dma.local @!p0 [hbm:s0], s1  }
0x2a: {  	s0 =	simm.s32 @!p0 $0x1  }
0x2b: {  	_ =	swait.ge @!p0 [sflag:s0], s1  }
0x2c: {  	s1 =	ssub.s32 @!p0 $0x0, s1;
	[sflag:s0] =	ssyncset.done @!p0 $0x0  }
0x2d: {  	[sflag:s0] =	ssyncadd.s32 @!p0 s1  }
0x2e: {  	[bflag:$0x3] =	sbarrier.arrive $0xFFFF  }
0x2f: {  	_ =	shalt  }

</sc_bundles>
